<compile_context>
chip_gen: v7x
topology: tpu7x:2x2x1
jax: 0.10.2.dev20260603
libtpu: 0.0.44.dev20260713+nightly
codegen_flags: <defaults>
</compile_context>

<pallas_src>
import functools

import jax
import jax.numpy as jnp
from jax import lax
from jax.experimental import pallas as pl
from jax.experimental.pallas import tpu as pltpu
from jax.experimental.pallas import tpu_sc as plsc

_CHUNK = 128
_NW = 32
_NB = 5


@functools.cache
def _build(B, D, rows_per_w):
    mesh = plsc.VectorSubcoreMesh(core_axis_name="c", subcore_axis_name="s")
    n_groups = rows_per_w // _NB

    @functools.partial(
        pl.kernel,
        mesh=mesh,
        out_type=jax.ShapeDtypeStruct((B, D), jnp.float32),
        scratch_types=[
            pltpu.VMEM((rows_per_w, _CHUNK), jnp.int32),
            pltpu.VMEM((_NB, _CHUNK, D), jnp.float32),
        ]
        + [pltpu.SemaphoreType.DMA] * (2 * _NB),
    )
    def k(idx_hbm, table_hbm, out_hbm, idx_v, rows_v, *sems):
        gsem = sems[:_NB]
        osem = sems[_NB:]
        wid = lax.axis_index("s") * 2 + lax.axis_index("c")
        row0 = wid * rows_per_w
        pltpu.sync_copy(idx_hbm.at[wid], idx_v)

        def body(g, carry):
            j0 = g * _NB
            gh = [
                pltpu.async_copy(
                    table_hbm.at[idx_v.at[j0 + b]], rows_v.at[b], gsem[b]
                )
                for b in range(_NB)
            ]
            sh = []
            for b in range(_NB):
                gh[b].wait()
                sh.append(
                    pltpu.async_copy(
                        rows_v.at[b],
                        out_hbm.at[pl.ds((row0 + j0 + b) * _CHUNK, _CHUNK)],
                        osem[b],
                    )
                )
            for h in sh:
                h.wait()
            return carry

        lax.fori_loop(0, n_groups, body, 0)

    return k


def kernel(labels, table):
    D = table.shape[1]
    BT, T = labels.shape
    B = BT * T
    idx = labels.astype(jnp.int32).T
    n_rows = B // _CHUNK
    rows_per_w = n_rows // _NW
    idx3 = idx.reshape(_NW, rows_per_w, _CHUNK)
    out = _build(B, D, rows_per_w)(idx3, table)
    return out.reshape(T, BT, D).transpose(1, 0, 2)

# --- scband reference (transcript-rebuilt; emitter-appended) ---
"""Pipeline reference for scband-token-embed-79448305041703 (READ-ONLY COPY).

The authoritative reference and input builder live on the scoring server;
editing this copy changes nothing except your own understanding.
"""

import jax, jax.numpy as jnp
import numpy as np

NUM_CLASSES = 100000
HIDDEN_SIZE = 128

def setup_inputs(seed: int = 0) -> dict:
    key = jax.random.key(seed)
    k_idx, k_tab = jax.random.split(key)
    labels = jax.random.randint(k_idx, (4096, 50), 0, NUM_CLASSES, dtype=jnp.int64 if jax.config.jax_enable_x64 else jnp.int32)
    # embedding table initialized with normal(0.02), matching nn.initializers.normal(0.02)
    table = jax.random.normal(k_tab, (NUM_CLASSES, HIDDEN_SIZE), dtype=jnp.float32) * 0.02
    return {"labels": labels, "table": table}

def reference(labels, table):
    # Faithful to flax nn.Embed.__call__: gather rows of the embedding table by integer labels
    return jnp.take(table, labels, axis=0)

if __name__ == "__main__":
    import jax
    _d = setup_inputs()
    print(jax.jit(kernel)(*tuple(_d.values())))

</pallas_src>

<mosaic_0001>
#map = affine_map<(d0, d1) -> (0, 0, 0)>
#map1 = affine_map<(d0, d1) -> (0, 0)>
module attributes {stable_mosaic.version = 14 : i64} {
  func.func @k(%arg0: i32, %arg1: i32, %arg2: memref<32x50x128xi32, #tpu.memory_space<hbm>>, %arg3: memref<100000x128xf32, #tpu.memory_space<hbm>>, %arg4: memref<204800x128xf32, #tpu.memory_space<hbm>>, %arg5: memref<50x128xi32, #tpu.memory_space<vmem>>, %arg6: memref<5x128x128xf32, #tpu.memory_space<vmem>>, %arg7: memref<!tpu.dma_semaphore, #tpu.memory_space<semaphore_mem>>, %arg8: memref<!tpu.dma_semaphore, #tpu.memory_space<semaphore_mem>>, %arg9: memref<!tpu.dma_semaphore, #tpu.memory_space<semaphore_mem>>, %arg10: memref<!tpu.dma_semaphore, #tpu.memory_space<semaphore_mem>>, %arg11: memref<!tpu.dma_semaphore, #tpu.memory_space<semaphore_mem>>, %arg12: memref<!tpu.dma_semaphore, #tpu.memory_space<semaphore_mem>>, %arg13: memref<!tpu.dma_semaphore, #tpu.memory_space<semaphore_mem>>, %arg14: memref<!tpu.dma_semaphore, #tpu.memory_space<semaphore_mem>>, %arg15: memref<!tpu.dma_semaphore, #tpu.memory_space<semaphore_mem>>, %arg16: memref<!tpu.dma_semaphore, #tpu.memory_space<semaphore_mem>>) attributes {dimension_semantics = [#tpu.dimension_semantics<core_parallel>, #tpu.dimension_semantics<subcore_parallel>], iteration_bounds = array<i64: 2, 16>, scalar_prefetch = 0 : i64, scratch_operands = 12 : i64, tpu.core_type = #tpu.core_type<sc_vector_subcore>, window_params = [{transform_indices = #map}, {transform_indices = #map1}, {transform_indices = #map1}]} {
    %mul3A = arith.constant 2 : i32
    %mul3A_0 = arith.muli %arg1, %mul3A : i32
    %add3A = arith.addi %mul3A_0, %arg0 : i32
    %mul3A_1 = arith.constant 50 : i32
    %mul3A_2 = arith.muli %add3A, %mul3A_1 : i32
    "tpu.region"() ({
      %run_scoped3A = tpu.sem_alloc : memref<!tpu.dma_semaphore, #tpu.memory_space<semaphore_mem>>
      %dma_start3A = arith.constant 0 : i32
      %dma_start3A_8 = arith.constant 0 : i32
      %dma_start3A_9 = tpu.memref_slice %arg2[%add3A, %dma_start3A, %dma_start3A_8] : memref<32x50x128xi32, #tpu.memory_space<hbm>> -> memref<1x50x128xi32, #tpu.memory_space<hbm>>
      %dma_start3A_10 = tpu.memref_squeeze %dma_start3A_9 : memref<1x50x128xi32, #tpu.memory_space<hbm>> -> memref<50x128xi32, #tpu.memory_space<hbm>>
      %dma_start3A_11 = arith.constant 0 : i32
      %dma_start3A_12 = arith.constant 0 : i32
      %dma_start3A_13 = tpu.memref_slice %arg2[%add3A, %dma_start3A_11, %dma_start3A_12] : memref<32x50x128xi32, #tpu.memory_space<hbm>> -> memref<1x50x128xi32, #tpu.memory_space<hbm>>
      %dma_start3A_14 = tpu.memref_squeeze %dma_start3A_13 : memref<1x50x128xi32, #tpu.memory_space<hbm>> -> memref<50x128xi32, #tpu.memory_space<hbm>>
      tpu.enqueue_dma source(%dma_start3A_14 : memref<50x128xi32, #tpu.memory_space<hbm>>) target(%arg5 : memref<50x128xi32, #tpu.memory_space<vmem>>) target_semaphore(%run_scoped3A : memref<!tpu.dma_semaphore, #tpu.memory_space<semaphore_mem>>)
      %dma_wait3A = arith.constant 0 : i32
      %dma_wait3A_15 = arith.constant 0 : i32
      %dma_wait3A_16 = tpu.memref_slice %arg2[%add3A, %dma_wait3A, %dma_wait3A_15] : memref<32x50x128xi32, #tpu.memory_space<hbm>> -> memref<1x50x128xi32, #tpu.memory_space<hbm>>
      %dma_wait3A_17 = tpu.memref_squeeze %dma_wait3A_16 : memref<1x50x128xi32, #tpu.memory_space<hbm>> -> memref<50x128xi32, #tpu.memory_space<hbm>>
      %dma_wait3A_18 = arith.constant 0 : i32
      %dma_wait3A_19 = arith.constant 0 : i32
      %dma_wait3A_20 = tpu.memref_slice %arg2[%add3A, %dma_wait3A_18, %dma_wait3A_19] : memref<32x50x128xi32, #tpu.memory_space<hbm>> -> memref<1x50x128xi32, #tpu.memory_space<hbm>>
      %dma_wait3A_21 = tpu.memref_squeeze %dma_wait3A_20 : memref<1x50x128xi32, #tpu.memory_space<hbm>> -> memref<50x128xi32, #tpu.memory_space<hbm>>
      tpu.wait_dma2 semaphore(%run_scoped3A : memref<!tpu.dma_semaphore, #tpu.memory_space<semaphore_mem>>) src(%dma_wait3A_21 : memref<50x128xi32, #tpu.memory_space<hbm>>) dst(%arg5 : memref<50x128xi32, #tpu.memory_space<vmem>>)
      tpu.yield
    }) : () -> ()
    %scan3A = arith.constant 0 : i32
    %scan3A_3 = arith.constant 0 : i32
    %scan3A_4 = arith.constant 10 : i32
    %scan3A_5 = arith.addi %scan3A_3, %scan3A_4 : i32
    %scan3A_6 = arith.constant 1 : i32
    scf.for %scan3A_8 = %scan3A_3 to %scan3A_5 step %scan3A_6  : i32 {
      %mul3A_9 = arith.constant 5 : i32
      %mul3A_10 = arith.muli %scan3A_8, %mul3A_9 : i32
      %add3A_11 = arith.constant 0 : i32
      %add3A_12 = arith.addi %mul3A_10, %add3A_11 : i32
      %dma_start3A = arith.constant 0 : i32
      %dma_start3A_13 = arith.constant 0 : i32
      %dma_start3A_14 = arith.constant 0 : i32
      %dma_start3A_15 = tpu.memref_slice %arg6[%dma_start3A, %dma_start3A_13, %dma_start3A_14] : memref<5x128x128xf32, #tpu.memory_space<vmem>> -> memref<1x128x128xf32, #tpu.memory_space<vmem>>
      %dma_start3A_16 = tpu.memref_squeeze %dma_start3A_15 : memref<1x128x128xf32, #tpu.memory_space<vmem>> -> memref<128x128xf32, #tpu.memory_space<vmem>>
      %dma_start3A_17 = arith.constant 0 : i32
      %dma_start3A_18 = tpu.memref_slice %arg5[%add3A_12, %dma_start3A_17] : memref<50x128xi32, #tpu.memory_space<vmem>> -> memref<1x128xi32, #tpu.memory_space<vmem>>
      %dma_start3A_19 = tpu.memref_squeeze %dma_start3A_18 : memref<1x128xi32, #tpu.memory_space<vmem>> -> memref<128xi32, #tpu.memory_space<vmem>>
      %dma_start3A_20 = arith.constant 0 : i32
      %dma_start3A_21 = arith.constant 0 : i32
      %dma_start3A_22 = tpu.memref_slice %arg3[%dma_start3A_20, %dma_start3A_21] : memref<100000x128xf32, #tpu.memory_space<hbm>> -> memref<100000x128xf32, #tpu.memory_space<hbm>>
      tpu.enqueue_indirect_dma source(%dma_start3A_22 : memref<100000x128xf32, #tpu.memory_space<hbm>>) target(%dma_start3A_16 : memref<128x128xf32, #tpu.memory_space<vmem>>) offsets(%dma_start3A_19 : memref<128xi32, #tpu.memory_space<vmem>>) semaphore(%arg7 : memref<!tpu.dma_semaphore, #tpu.memory_space<semaphore_mem>>)
      %add3A_23 = arith.constant 1 : i32
      %add3A_24 = arith.addi %mul3A_10, %add3A_23 : i32
      %dma_start3A_25 = arith.constant 1 : i32
      %dma_start3A_26 = arith.constant 0 : i32
      %dma_start3A_27 = arith.constant 0 : i32
      %dma_start3A_28 = tpu.memref_slice %arg6[%dma_start3A_25, %dma_start3A_26, %dma_start3A_27] : memref<5x128x128xf32, #tpu.memory_space<vmem>> -> memref<1x128x128xf32, #tpu.memory_space<vmem>>
      %dma_start3A_29 = tpu.memref_squeeze %dma_start3A_28 : memref<1x128x128xf32, #tpu.memory_space<vmem>> -> memref<128x128xf32, #tpu.memory_space<vmem>>
      %dma_start3A_30 = arith.constant 0 : i32
      %dma_start3A_31 = tpu.memref_slice %arg5[%add3A_24, %dma_start3A_30] : memref<50x128xi32, #tpu.memory_space<vmem>> -> memref<1x128xi32, #tpu.memory_space<vmem>>
      %dma_start3A_32 = tpu.memref_squeeze %dma_start3A_31 : memref<1x128xi32, #tpu.memory_space<vmem>> -> memref<128xi32, #tpu.memory_space<vmem>>
      %dma_start3A_33 = arith.constant 0 : i32
      %dma_start3A_34 = arith.constant 0 : i32
      %dma_start3A_35 = tpu.memref_slice %arg3[%dma_start3A_33, %dma_start3A_34] : memref<100000x128xf32, #tpu.memory_space<hbm>> -> memref<100000x128xf32, #tpu.memory_space<hbm>>
      tpu.enqueue_indirect_dma source(%dma_start3A_35 : memref<100000x128xf32, #tpu.memory_space<hbm>>) target(%dma_start3A_29 : memref<128x128xf32, #tpu.memory_space<vmem>>) offsets(%dma_start3A_32 : memref<128xi32, #tpu.memory_space<vmem>>) semaphore(%arg8 : memref<!tpu.dma_semaphore, #tpu.memory_space<semaphore_mem>>)
      %add3A_36 = arith.constant 2 : i32
      %add3A_37 = arith.addi %mul3A_10, %add3A_36 : i32
      %dma_start3A_38 = arith.constant 2 : i32
      %dma_start3A_39 = arith.constant 0 : i32
      %dma_start3A_40 = arith.constant 0 : i32
      %dma_start3A_41 = tpu.memref_slice %arg6[%dma_start3A_38, %dma_start3A_39, %dma_start3A_40] : memref<5x128x128xf32, #tpu.memory_space<vmem>> -> memref<1x128x128xf32, #tpu.memory_space<vmem>>
      %dma_start3A_42 = tpu.memref_squeeze %dma_start3A_41 : memref<1x128x128xf32, #tpu.memory_space<vmem>> -> memref<128x128xf32, #tpu.memory_space<vmem>>
      %dma_start3A_43 = arith.constant 0 : i32
      %dma_start3A_44 = tpu.memref_slice %arg5[%add3A_37, %dma_start3A_43] : memref<50x128xi32, #tpu.memory_space<vmem>> -> memref<1x128xi32, #tpu.memory_space<vmem>>
      %dma_start3A_45 = tpu.memref_squeeze %dma_start3A_44 : memref<1x128xi32, #tpu.memory_space<vmem>> -> memref<128xi32, #tpu.memory_space<vmem>>
      %dma_start3A_46 = arith.constant 0 : i32
      %dma_start3A_47 = arith.constant 0 : i32
      %dma_start3A_48 = tpu.memref_slice %arg3[%dma_start3A_46, %dma_start3A_47] : memref<100000x128xf32, #tpu.memory_space<hbm>> -> memref<100000x128xf32, #tpu.memory_space<hbm>>
      tpu.enqueue_indirect_dma source(%dma_start3A_48 : memref<100000x128xf32, #tpu.memory_space<hbm>>) target(%dma_start3A_42 : memref<128x128xf32, #tpu.memory_space<vmem>>) offsets(%dma_start3A_45 : memref<128xi32, #tpu.memory_space<vmem>>) semaphore(%arg9 : memref<!tpu.dma_semaphore, #tpu.memory_space<semaphore_mem>>)
      %add3A_49 = arith.constant 3 : i32
      %add3A_50 = arith.addi %mul3A_10, %add3A_49 : i32
      %dma_start3A_51 = arith.constant 3 : i32
      %dma_start3A_52 = arith.constant 0 : i32
      %dma_start3A_53 = arith.constant 0 : i32
      %dma_start3A_54 = tpu.memref_slice %arg6[%dma_start3A_51, %dma_start3A_52, %dma_start3A_53] : memref<5x128x128xf32, #tpu.memory_space<vmem>> -> memref<1x128x128xf32, #tpu.memory_space<vmem>>
      %dma_start3A_55 = tpu.memref_squeeze %dma_start3A_54 : memref<1x128x128xf32, #tpu.memory_space<vmem>> -> memref<128x128xf32, #tpu.memory_space<vmem>>
      %dma_start3A_56 = arith.constant 0 : i32
      %dma_start3A_57 = tpu.memref_slice %arg5[%add3A_50, %dma_start3A_56] : memref<50x128xi32, #tpu.memory_space<vmem>> -> memref<1x128xi32, #tpu.memory_space<vmem>>
      %dma_start3A_58 = tpu.memref_squeeze %dma_start3A_57 : memref<1x128xi32, #tpu.memory_space<vmem>> -> memref<128xi32, #tpu.memory_space<vmem>>
      %dma_start3A_59 = arith.constant 0 : i32
      %dma_start3A_60 = arith.constant 0 : i32
      %dma_start3A_61 = tpu.memref_slice %arg3[%dma_start3A_59, %dma_start3A_60] : memref<100000x128xf32, #tpu.memory_space<hbm>> -> memref<100000x128xf32, #tpu.memory_space<hbm>>
      tpu.enqueue_indirect_dma source(%dma_start3A_61 : memref<100000x128xf32, #tpu.memory_space<hbm>>) target(%dma_start3A_55 : memref<128x128xf32, #tpu.memory_space<vmem>>) offsets(%dma_start3A_58 : memref<128xi32, #tpu.memory_space<vmem>>) semaphore(%arg10 : memref<!tpu.dma_semaphore, #tpu.memory_space<semaphore_mem>>)
      %add3A_62 = arith.constant 4 : i32
      %add3A_63 = arith.addi %mul3A_10, %add3A_62 : i32
      %dma_start3A_64 = arith.constant 4 : i32
      %dma_start3A_65 = arith.constant 0 : i32
      %dma_start3A_66 = arith.constant 0 : i32
      %dma_start3A_67 = tpu.memref_slice %arg6[%dma_start3A_64, %dma_start3A_65, %dma_start3A_66] : memref<5x128x128xf32, #tpu.memory_space<vmem>> -> memref<1x128x128xf32, #tpu.memory_space<vmem>>
      %dma_start3A_68 = tpu.memref_squeeze %dma_start3A_67 : memref<1x128x128xf32, #tpu.memory_space<vmem>> -> memref<128x128xf32, #tpu.memory_space<vmem>>
      %dma_start3A_69 = arith.constant 0 : i32
      %dma_start3A_70 = tpu.memref_slice %arg5[%add3A_63, %dma_start3A_69] : memref<50x128xi32, #tpu.memory_space<vmem>> -> memref<1x128xi32, #tpu.memory_space<vmem>>
      %dma_start3A_71 = tpu.memref_squeeze %dma_start3A_70 : memref<1x128xi32, #tpu.memory_space<vmem>> -> memref<128xi32, #tpu.memory_space<vmem>>
      %dma_start3A_72 = arith.constant 0 : i32
      %dma_start3A_73 = arith.constant 0 : i32
      %dma_start3A_74 = tpu.memref_slice %arg3[%dma_start3A_72, %dma_start3A_73] : memref<100000x128xf32, #tpu.memory_space<hbm>> -> memref<100000x128xf32, #tpu.memory_space<hbm>>
      tpu.enqueue_indirect_dma source(%dma_start3A_74 : memref<100000x128xf32, #tpu.memory_space<hbm>>) target(%dma_start3A_68 : memref<128x128xf32, #tpu.memory_space<vmem>>) offsets(%dma_start3A_71 : memref<128xi32, #tpu.memory_space<vmem>>) semaphore(%arg11 : memref<!tpu.dma_semaphore, #tpu.memory_space<semaphore_mem>>)
      %dma_wait3A = arith.constant 0 : i32
      %dma_wait3A_75 = arith.constant 0 : i32
      %dma_wait3A_76 = arith.constant 0 : i32
      %dma_wait3A_77 = tpu.memref_slice %arg6[%dma_wait3A, %dma_wait3A_75, %dma_wait3A_76] : memref<5x128x128xf32, #tpu.memory_space<vmem>> -> memref<1x128x128xf32, #tpu.memory_space<vmem>>
      %dma_wait3A_78 = tpu.memref_squeeze %dma_wait3A_77 : memref<1x128x128xf32, #tpu.memory_space<vmem>> -> memref<128x128xf32, #tpu.memory_space<vmem>>
      %dma_wait3A_79 = arith.constant 0 : i32
      %dma_wait3A_80 = tpu.memref_slice %arg5[%add3A_12, %dma_wait3A_79] : memref<50x128xi32, #tpu.memory_space<vmem>> -> memref<1x128xi32, #tpu.memory_space<vmem>>
      %dma_wait3A_81 = tpu.memref_squeeze %dma_wait3A_80 : memref<1x128xi32, #tpu.memory_space<vmem>> -> memref<128xi32, #tpu.memory_space<vmem>>
      %dma_wait3A_82 = arith.constant 0 : i32
      %dma_wait3A_83 = arith.constant 0 : i32
      %dma_wait3A_84 = tpu.memref_slice %arg3[%dma_wait3A_82, %dma_wait3A_83] : memref<100000x128xf32, #tpu.memory_space<hbm>> -> memref<100000x128xf32, #tpu.memory_space<hbm>>
      tpu.wait_indirect_dma semaphore(%arg7 : memref<!tpu.dma_semaphore, #tpu.memory_space<semaphore_mem>>) src(%dma_wait3A_84 : memref<100000x128xf32, #tpu.memory_space<hbm>>) dst(%dma_wait3A_78 : memref<128x128xf32, #tpu.memory_space<vmem>>)
      %add3A_85 = arith.addi %mul3A_2, %mul3A_10 : i32
      %add3A_86 = arith.constant 0 : i32
      %add3A_87 = arith.addi %add3A_85, %add3A_86 : i32
      %mul3A_88 = arith.constant 128 : i32
      %mul3A_89 = arith.muli %add3A_87, %mul3A_88 : i32
      %dma_start3A_90 = arith.constant 0 : i32
      %dma_start3A_91 = arith.constant 0 : i32
      %dma_start3A_92 = arith.constant 0 : i32
      %dma_start3A_93 = tpu.memref_slice %arg6[%dma_start3A_90, %dma_start3A_91, %dma_start3A_92] : memref<5x128x128xf32, #tpu.memory_space<vmem>> -> memref<1x128x128xf32, #tpu.memory_space<vmem>>
      %dma_start3A_94 = tpu.memref_squeeze %dma_start3A_93 : memref<1x128x128xf32, #tpu.memory_space<vmem>> -> memref<128x128xf32, #tpu.memory_space<vmem>>
      %dma_start3A_95 = arith.constant 0 : i32
      %dma_start3A_96 = tpu.memref_slice %arg4[%mul3A_89, %dma_start3A_95] : memref<204800x128xf32, #tpu.memory_space<hbm>> -> memref<128x128xf32, #tpu.memory_space<hbm>>
      %dma_start3A_97 = arith.constant 0 : i32
      %dma_start3A_98 = tpu.memref_slice %arg4[%mul3A_89, %dma_start3A_97] : memref<204800x128xf32, #tpu.memory_space<hbm>> -> memref<128x128xf32, #tpu.memory_space<hbm>>
      %dma_start3A_99 = arith.constant 0 : i32
      %dma_start3A_100 = arith.constant 0 : i32
      %dma_start3A_101 = tpu.memref_slice %arg6[%dma_start3A_90, %dma_start3A_99, %dma_start3A_100] : memref<5x128x128xf32, #tpu.memory_space<vmem>> -> memref<1x128x128xf32, #tpu.memory_space<vmem>>
      %dma_start3A_102 = tpu.memref_squeeze %dma_start3A_101 : memref<1x128x128xf32, #tpu.memory_space<vmem>> -> memref<128x128xf32, #tpu.memory_space<vmem>>
      tpu.enqueue_dma source(%dma_start3A_102 : memref<128x128xf32, #tpu.memory_space<vmem>>) target(%dma_start3A_98 : memref<128x128xf32, #tpu.memory_space<hbm>>) target_semaphore(%arg12 : memref<!tpu.dma_semaphore, #tpu.memory_space<semaphore_mem>>)
      %dma_wait3A_103 = arith.constant 1 : i32
      %dma_wait3A_104 = arith.constant 0 : i32
      %dma_wait3A_105 = arith.constant 0 : i32
      %dma_wait3A_106 = tpu.memref_slice %arg6[%dma_wait3A_103, %dma_wait3A_104, %dma_wait3A_105] : memref<5x128x128xf32, #tpu.memory_space<vmem>> -> memref<1x128x128xf32, #tpu.memory_space<vmem>>
      %dma_wait3A_107 = tpu.memref_squeeze %dma_wait3A_106 : memref<1x128x128xf32, #tpu.memory_space<vmem>> -> memref<128x128xf32, #tpu.memory_space<vmem>>
      %dma_wait3A_108 = arith.constant 0 : i32
      %dma_wait3A_109 = tpu.memref_slice %arg5[%add3A_24, %dma_wait3A_108] : memref<50x128xi32, #tpu.memory_space<vmem>> -> memref<1x128xi32, #tpu.memory_space<vmem>>
      %dma_wait3A_110 = tpu.memref_squeeze %dma_wait3A_109 : memref<1x128xi32, #tpu.memory_space<vmem>> -> memref<128xi32, #tpu.memory_space<vmem>>
      %dma_wait3A_111 = arith.constant 0 : i32
      %dma_wait3A_112 = arith.constant 0 : i32
      %dma_wait3A_113 = tpu.memref_slice %arg3[%dma_wait3A_111, %dma_wait3A_112] : memref<100000x128xf32, #tpu.memory_space<hbm>> -> memref<100000x128xf32, #tpu.memory_space<hbm>>
      tpu.wait_indirect_dma semaphore(%arg8 : memref<!tpu.dma_semaphore, #tpu.memory_space<semaphore_mem>>) src(%dma_wait3A_113 : memref<100000x128xf32, #tpu.memory_space<hbm>>) dst(%dma_wait3A_107 : memref<128x128xf32, #tpu.memory_space<vmem>>)
      %add3A_114 = arith.addi %mul3A_2, %mul3A_10 : i32
      %add3A_115 = arith.constant 1 : i32
      %add3A_116 = arith.addi %add3A_114, %add3A_115 : i32
      %mul3A_117 = arith.constant 128 : i32
      %mul3A_118 = arith.muli %add3A_116, %mul3A_117 : i32
      %dma_start3A_119 = arith.constant 1 : i32
      %dma_start3A_120 = arith.constant 0 : i32
      %dma_start3A_121 = arith.constant 0 : i32
      %dma_start3A_122 = tpu.memref_slice %arg6[%dma_start3A_119, %dma_start3A_120, %dma_start3A_121] : memref<5x128x128xf32, #tpu.memory_space<vmem>> -> memref<1x128x128xf32, #tpu.memory_space<vmem>>
      %dma_start3A_123 = tpu.memref_squeeze %dma_start3A_122 : memref<1x128x128xf32, #tpu.memory_space<vmem>> -> memref<128x128xf32, #tpu.memory_space<vmem>>
      %dma_start3A_124 = arith.constant 0 : i32
      %dma_start3A_125 = tpu.memref_slice %arg4[%mul3A_118, %dma_start3A_124] : memref<204800x128xf32, #tpu.memory_space<hbm>> -> memref<128x128xf32, #tpu.memory_space<hbm>>
      %dma_start3A_126 = arith.constant 0 : i32
      %dma_start3A_127 = tpu.memref_slice %arg4[%mul3A_118, %dma_start3A_126] : memref<204800x128xf32, #tpu.memory_space<hbm>> -> memref<128x128xf32, #tpu.memory_space<hbm>>
      %dma_start3A_128 = arith.constant 0 : i32
      %dma_start3A_129 = arith.constant 0 : i32
      %dma_start3A_130 = tpu.memref_slice %arg6[%dma_start3A_119, %dma_start3A_128, %dma_start3A_129] : memref<5x128x128xf32, #tpu.memory_space<vmem>> -> memref<1x128x128xf32, #tpu.memory_space<vmem>>
      %dma_start3A_131 = tpu.memref_squeeze %dma_start3A_130 : memref<1x128x128xf32, #tpu.memory_space<vmem>> -> memref<128x128xf32, #tpu.memory_space<vmem>>
      tpu.enqueue_dma source(%dma_start3A_131 : memref<128x128xf32, #tpu.memory_space<vmem>>) target(%dma_start3A_127 : memref<128x128xf32, #tpu.memory_space<hbm>>) target_semaphore(%arg13 : memref<!tpu.dma_semaphore, #tpu.memory_space<semaphore_mem>>)
      %dma_wait3A_132 = arith.constant 2 : i32
      %dma_wait3A_133 = arith.constant 0 : i32
      %dma_wait3A_134 = arith.constant 0 : i32
      %dma_wait3A_135 = tpu.memref_slice %arg6[%dma_wait3A_132, %dma_wait3A_133, %dma_wait3A_134] : memref<5x128x128xf32, #tpu.memory_space<vmem>> -> memref<1x128x128xf32, #tpu.memory_space<vmem>>
      %dma_wait3A_136 = tpu.memref_squeeze %dma_wait3A_135 : memref<1x128x128xf32, #tpu.memory_space<vmem>> -> memref<128x128xf32, #tpu.memory_space<vmem>>
      %dma_wait3A_137 = arith.constant 0 : i32
      %dma_wait3A_138 = tpu.memref_slice %arg5[%add3A_37, %dma_wait3A_137] : memref<50x128xi32, #tpu.memory_space<vmem>> -> memref<1x128xi32, #tpu.memory_space<vmem>>
      %dma_wait3A_139 = tpu.memref_squeeze %dma_wait3A_138 : memref<1x128xi32, #tpu.memory_space<vmem>> -> memref<128xi32, #tpu.memory_space<vmem>>
      %dma_wait3A_140 = arith.constant 0 : i32
      %dma_wait3A_141 = arith.constant 0 : i32
      %dma_wait3A_142 = tpu.memref_slice %arg3[%dma_wait3A_140, %dma_wait3A_141] : memref<100000x128xf32, #tpu.memory_space<hbm>> -> memref<100000x128xf32, #tpu.memory_space<hbm>>
      tpu.wait_indirect_dma semaphore(%arg9 : memref<!tpu.dma_semaphore, #tpu.memory_space<semaphore_mem>>) src(%dma_wait3A_142 : memref<100000x128xf32, #tpu.memory_space<hbm>>) dst(%dma_wait3A_136 : memref<128x128xf32, #tpu.memory_space<vmem>>)
      %add3A_143 = arith.addi %mul3A_2, %mul3A_10 : i32
      %add3A_144 = arith.constant 2 : i32
      %add3A_145 = arith.addi %add3A_143, %add3A_144 : i32
      %mul3A_146 = arith.constant 128 : i32
      %mul3A_147 = arith.muli %add3A_145, %mul3A_146 : i32
      %dma_start3A_148 = arith.constant 2 : i32
      %dma_start3A_149 = arith.constant 0 : i32
      %dma_start3A_150 = arith.constant 0 : i32
      %dma_start3A_151 = tpu.memref_slice %arg6[%dma_start3A_148, %dma_start3A_149, %dma_start3A_150] : memref<5x128x128xf32, #tpu.memory_space<vmem>> -> memref<1x128x128xf32, #tpu.memory_space<vmem>>
      %dma_start3A_152 = tpu.memref_squeeze %dma_start3A_151 : memref<1x128x128xf32, #tpu.memory_space<vmem>> -> memref<128x128xf32, #tpu.memory_space<vmem>>
      %dma_start3A_153 = arith.constant 0 : i32
      %dma_start3A_154 = tpu.memref_slice %arg4[%mul3A_147, %dma_start3A_153] : memref<204800x128xf32, #tpu.memory_space<hbm>> -> memref<128x128xf32, #tpu.memory_space<hbm>>
      %dma_start3A_155 = arith.constant 0 : i32
      %dma_start3A_156 = tpu.memref_slice %arg4[%mul3A_147, %dma_start3A_155] : memref<204800x128xf32, #tpu.memory_space<hbm>> -> memref<128x128xf32, #tpu.memory_space<hbm>>
      %dma_start3A_157 = arith.constant 0 : i32
      %dma_start3A_158 = arith.constant 0 : i32
      %dma_start3A_159 = tpu.memref_slice %arg6[%dma_start3A_148, %dma_start3A_157, %dma_start3A_158] : memref<5x128x128xf32, #tpu.memory_space<vmem>> -> memref<1x128x128xf32, #tpu.memory_space<vmem>>
      %dma_start3A_160 = tpu.memref_squeeze %dma_start3A_159 : memref<1x128x128xf32, #tpu.memory_space<vmem>> -> memref<128x128xf32, #tpu.memory_space<vmem>>
      tpu.enqueue_dma source(%dma_start3A_160 : memref<128x128xf32, #tpu.memory_space<vmem>>) target(%dma_start3A_156 : memref<128x128xf32, #tpu.memory_space<hbm>>) target_semaphore(%arg14 : memref<!tpu.dma_semaphore, #tpu.memory_space<semaphore_mem>>)
      %dma_wait3A_161 = arith.constant 3 : i32
      %dma_wait3A_162 = arith.constant 0 : i32
      %dma_wait3A_163 = arith.constant 0 : i32
      %dma_wait3A_164 = tpu.memref_slice %arg6[%dma_wait3A_161, %dma_wait3A_162, %dma_wait3A_163] : memref<5x128x128xf32, #tpu.memory_space<vmem>> -> memref<1x128x128xf32, #tpu.memory_space<vmem>>
      %dma_wait3A_165 = tpu.memref_squeeze %dma_wait3A_164 : memref<1x128x128xf32, #tpu.memory_space<vmem>> -> memref<128x128xf32, #tpu.memory_space<vmem>>
      %dma_wait3A_166 = arith.constant 0 : i32
      %dma_wait3A_167 = tpu.memref_slice %arg5[%add3A_50, %dma_wait3A_166] : memref<50x128xi32, #tpu.memory_space<vmem>> -> memref<1x128xi32, #tpu.memory_space<vmem>>
      %dma_wait3A_168 = tpu.memref_squeeze %dma_wait3A_167 : memref<1x128xi32, #tpu.memory_space<vmem>> -> memref<128xi32, #tpu.memory_space<vmem>>
      %dma_wait3A_169 = arith.constant 0 : i32
      %dma_wait3A_170 = arith.constant 0 : i32
      %dma_wait3A_171 = tpu.memref_slice %arg3[%dma_wait3A_169, %dma_wait3A_170] : memref<100000x128xf32, #tpu.memory_space<hbm>> -> memref<100000x128xf32, #tpu.memory_space<hbm>>
      tpu.wait_indirect_dma semaphore(%arg10 : memref<!tpu.dma_semaphore, #tpu.memory_space<semaphore_mem>>) src(%dma_wait3A_171 : memref<100000x128xf32, #tpu.memory_space<hbm>>) dst(%dma_wait3A_165 : memref<128x128xf32, #tpu.memory_space<vmem>>)
      %add3A_172 = arith.addi %mul3A_2, %mul3A_10 : i32
      %add3A_173 = arith.constant 3 : i32
      %add3A_174 = arith.addi %add3A_172, %add3A_173 : i32
      %mul3A_175 = arith.constant 128 : i32
      %mul3A_176 = arith.muli %add3A_174, %mul3A_175 : i32
      %dma_start3A_177 = arith.constant 3 : i32
      %dma_start3A_178 = arith.constant 0 : i32
      %dma_start3A_179 = arith.constant 0 : i32
      %dma_start3A_180 = tpu.memref_slice %arg6[%dma_start3A_177, %dma_start3A_178, %dma_start3A_179] : memref<5x128x128xf32, #tpu.memory_space<vmem>> -> memref<1x128x128xf32, #tpu.memory_space<vmem>>
      %dma_start3A_181 = tpu.memref_squeeze %dma_start3A_180 : memref<1x128x128xf32, #tpu.memory_space<vmem>> -> memref<128x128xf32, #tpu.memory_space<vmem>>
      %dma_start3A_182 = arith.constant 0 : i32
      %dma_start3A_183 = tpu.memref_slice %arg4[%mul3A_176, %dma_start3A_182] : memref<204800x128xf32, #tpu.memory_space<hbm>> -> memref<128x128xf32, #tpu.memory_space<hbm>>
      %dma_start3A_184 = arith.constant 0 : i32
      %dma_start3A_185 = tpu.memref_slice %arg4[%mul3A_176, %dma_start3A_184] : memref<204800x128xf32, #tpu.memory_space<hbm>> -> memref<128x128xf32, #tpu.memory_space<hbm>>
      %dma_start3A_186 = arith.constant 0 : i32
      %dma_start3A_187 = arith.constant 0 : i32
      %dma_start3A_188 = tpu.memref_slice %arg6[%dma_start3A_177, %dma_start3A_186, %dma_start3A_187] : memref<5x128x128xf32, #tpu.memory_space<vmem>> -> memref<1x128x128xf32, #tpu.memory_space<vmem>>
      %dma_start3A_189 = tpu.memref_squeeze %dma_start3A_188 : memref<1x128x128xf32, #tpu.memory_space<vmem>> -> memref<128x128xf32, #tpu.memory_space<vmem>>
      tpu.enqueue_dma source(%dma_start3A_189 : memref<128x128xf32, #tpu.memory_space<vmem>>) target(%dma_start3A_185 : memref<128x128xf32, #tpu.memory_space<hbm>>) target_semaphore(%arg15 : memref<!tpu.dma_semaphore, #tpu.memory_space<semaphore_mem>>)
      %dma_wait3A_190 = arith.constant 4 : i32
      %dma_wait3A_191 = arith.constant 0 : i32
      %dma_wait3A_192 = arith.constant 0 : i32
      %dma_wait3A_193 = tpu.memref_slice %arg6[%dma_wait3A_190, %dma_wait3A_191, %dma_wait3A_192] : memref<5x128x128xf32, #tpu.memory_space<vmem>> -> memref<1x128x128xf32, #tpu.memory_space<vmem>>
      %dma_wait3A_194 = tpu.memref_squeeze %dma_wait3A_193 : memref<1x128x128xf32, #tpu.memory_space<vmem>> -> memref<128x128xf32, #tpu.memory_space<vmem>>
      %dma_wait3A_195 = arith.constant 0 : i32
      %dma_wait3A_196 = tpu.memref_slice %arg5[%add3A_63, %dma_wait3A_195] : memref<50x128xi32, #tpu.memory_space<vmem>> -> memref<1x128xi32, #tpu.memory_space<vmem>>
      %dma_wait3A_197 = tpu.memref_squeeze %dma_wait3A_196 : memref<1x128xi32, #tpu.memory_space<vmem>> -> memref<128xi32, #tpu.memory_space<vmem>>
      %dma_wait3A_198 = arith.constant 0 : i32
      %dma_wait3A_199 = arith.constant 0 : i32
      %dma_wait3A_200 = tpu.memref_slice %arg3[%dma_wait3A_198, %dma_wait3A_199] : memref<100000x128xf32, #tpu.memory_space<hbm>> -> memref<100000x128xf32, #tpu.memory_space<hbm>>
      tpu.wait_indirect_dma semaphore(%arg11 : memref<!tpu.dma_semaphore, #tpu.memory_space<semaphore_mem>>) src(%dma_wait3A_200 : memref<100000x128xf32, #tpu.memory_space<hbm>>) dst(%dma_wait3A_194 : memref<128x128xf32, #tpu.memory_space<vmem>>)
      %add3A_201 = arith.addi %mul3A_2, %mul3A_10 : i32
      %add3A_202 = arith.constant 4 : i32
      %add3A_203 = arith.addi %add3A_201, %add3A_202 : i32
      %mul3A_204 = arith.constant 128 : i32
      %mul3A_205 = arith.muli %add3A_203, %mul3A_204 : i32
      %dma_start3A_206 = arith.constant 4 : i32
      %dma_start3A_207 = arith.constant 0 : i32
      %dma_start3A_208 = arith.constant 0 : i32
      %dma_start3A_209 = tpu.memref_slice %arg6[%dma_start3A_206, %dma_start3A_207, %dma_start3A_208] : memref<5x128x128xf32, #tpu.memory_space<vmem>> -> memref<1x128x128xf32, #tpu.memory_space<vmem>>
      %dma_start3A_210 = tpu.memref_squeeze %dma_start3A_209 : memref<1x128x128xf32, #tpu.memory_space<vmem>> -> memref<128x128xf32, #tpu.memory_space<vmem>>
      %dma_start3A_211 = arith.constant 0 : i32
      %dma_start3A_212 = tpu.memref_slice %arg4[%mul3A_205, %dma_start3A_211] : memref<204800x128xf32, #tpu.memory_space<hbm>> -> memref<128x128xf32, #tpu.memory_space<hbm>>
      %dma_start3A_213 = arith.constant 0 : i32
      %dma_start3A_214 = tpu.memref_slice %arg4[%mul3A_205, %dma_start3A_213] : memref<204800x128xf32, #tpu.memory_space<hbm>> -> memref<128x128xf32, #tpu.memory_space<hbm>>
      %dma_start3A_215 = arith.constant 0 : i32
      %dma_start3A_216 = arith.constant 0 : i32
      %dma_start3A_217 = tpu.memref_slice %arg6[%dma_start3A_206, %dma_start3A_215, %dma_start3A_216] : memref<5x128x128xf32, #tpu.memory_space<vmem>> -> memref<1x128x128xf32, #tpu.memory_space<vmem>>
      %dma_start3A_218 = tpu.memref_squeeze %dma_start3A_217 : memref<1x128x128xf32, #tpu.memory_space<vmem>> -> memref<128x128xf32, #tpu.memory_space<vmem>>
      tpu.enqueue_dma source(%dma_start3A_218 : memref<128x128xf32, #tpu.memory_space<vmem>>) target(%dma_start3A_214 : memref<128x128xf32, #tpu.memory_space<hbm>>) target_semaphore(%arg16 : memref<!tpu.dma_semaphore, #tpu.memory_space<semaphore_mem>>)
      %dma_wait3A_219 = arith.constant 0 : i32
      %dma_wait3A_220 = arith.constant 0 : i32
      %dma_wait3A_221 = arith.constant 0 : i32
      %dma_wait3A_222 = tpu.memref_slice %arg6[%dma_wait3A_219, %dma_wait3A_220, %dma_wait3A_221] : memref<5x128x128xf32, #tpu.memory_space<vmem>> -> memref<1x128x128xf32, #tpu.memory_space<vmem>>
      %dma_wait3A_223 = tpu.memref_squeeze %dma_wait3A_222 : memref<1x128x128xf32, #tpu.memory_space<vmem>> -> memref<128x128xf32, #tpu.memory_space<vmem>>
      %dma_wait3A_224 = arith.constant 0 : i32
      %dma_wait3A_225 = tpu.memref_slice %arg4[%mul3A_89, %dma_wait3A_224] : memref<204800x128xf32, #tpu.memory_space<hbm>> -> memref<128x128xf32, #tpu.memory_space<hbm>>
      %dma_wait3A_226 = arith.constant 0 : i32
      %dma_wait3A_227 = tpu.memref_slice %arg4[%mul3A_89, %dma_wait3A_226] : memref<204800x128xf32, #tpu.memory_space<hbm>> -> memref<128x128xf32, #tpu.memory_space<hbm>>
      %dma_wait3A_228 = arith.constant 0 : i32
      %dma_wait3A_229 = arith.constant 0 : i32
      %dma_wait3A_230 = tpu.memref_slice %arg6[%dma_wait3A_219, %dma_wait3A_228, %dma_wait3A_229] : memref<5x128x128xf32, #tpu.memory_space<vmem>> -> memref<1x128x128xf32, #tpu.memory_space<vmem>>
      %dma_wait3A_231 = tpu.memref_squeeze %dma_wait3A_230 : memref<1x128x128xf32, #tpu.memory_space<vmem>> -> memref<128x128xf32, #tpu.memory_space<vmem>>
      tpu.wait_dma2 semaphore(%arg12 : memref<!tpu.dma_semaphore, #tpu.memory_space<semaphore_mem>>) src(%dma_wait3A_231 : memref<128x128xf32, #tpu.memory_space<vmem>>) dst(%dma_wait3A_227 : memref<128x128xf32, #tpu.memory_space<hbm>>)
      %dma_wait3A_232 = arith.constant 1 : i32
      %dma_wait3A_233 = arith.constant 0 : i32
      %dma_wait3A_234 = arith.constant 0 : i32
      %dma_wait3A_235 = tpu.memref_slice %arg6[%dma_wait3A_232, %dma_wait3A_233, %dma_wait3A_234] : memref<5x128x128xf32, #tpu.memory_space<vmem>> -> memref<1x128x128xf32, #tpu.memory_space<vmem>>
      %dma_wait3A_236 = tpu.memref_squeeze %dma_wait3A_235 : memref<1x128x128xf32, #tpu.memory_space<vmem>> -> memref<128x128xf32, #tpu.memory_space<vmem>>
      %dma_wait3A_237 = arith.constant 0 : i32
      %dma_wait3A_238 = tpu.memref_slice %arg4[%mul3A_118, %dma_wait3A_237] : memref<204800x128xf32, #tpu.memory_space<hbm>> -> memref<128x128xf32, #tpu.memory_space<hbm>>
      %dma_wait3A_239 = arith.constant 0 : i32
      %dma_wait3A_240 = tpu.memref_slice %arg4[%mul3A_118, %dma_wait3A_239] : memref<204800x128xf32, #tpu.memory_space<hbm>> -> memref<128x128xf32, #tpu.memory_space<hbm>>
      %dma_wait3A_241 = arith.constant 0 : i32
      %dma_wait3A_242 = arith.constant 0 : i32
      %dma_wait3A_243 = tpu.memref_slice %arg6[%dma_wait3A_232, %dma_wait3A_241, %dma_wait3A_242] : memref<5x128x128xf32, #tpu.memory_space<vmem>> -> memref<1x128x128xf32, #tpu.memory_space<vmem>>
      %dma_wait3A_244 = tpu.memref_squeeze %dma_wait3A_243 : memref<1x128x128xf32, #tpu.memory_space<vmem>> -> memref<128x128xf32, #tpu.memory_space<vmem>>
      tpu.wait_dma2 semaphore(%arg13 : memref<!tpu.dma_semaphore, #tpu.memory_space<semaphore_mem>>) src(%dma_wait3A_244 : memref<128x128xf32, #tpu.memory_space<vmem>>) dst(%dma_wait3A_240 : memref<128x128xf32, #tpu.memory_space<hbm>>)
      %dma_wait3A_245 = arith.constant 2 : i32
      %dma_wait3A_246 = arith.constant 0 : i32
      %dma_wait3A_247 = arith.constant 0 : i32
      %dma_wait3A_248 = tpu.memref_slice %arg6[%dma_wait3A_245, %dma_wait3A_246, %dma_wait3A_247] : memref<5x128x128xf32, #tpu.memory_space<vmem>> -> memref<1x128x128xf32, #tpu.memory_space<vmem>>
      %dma_wait3A_249 = tpu.memref_squeeze %dma_wait3A_248 : memref<1x128x128xf32, #tpu.memory_space<vmem>> -> memref<128x128xf32, #tpu.memory_space<vmem>>
      %dma_wait3A_250 = arith.constant 0 : i32
      %dma_wait3A_251 = tpu.memref_slice %arg4[%mul3A_147, %dma_wait3A_250] : memref<204800x128xf32, #tpu.memory_space<hbm>> -> memref<128x128xf32, #tpu.memory_space<hbm>>
      %dma_wait3A_252 = arith.constant 0 : i32
      %dma_wait3A_253 = tpu.memref_slice %arg4[%mul3A_147, %dma_wait3A_252] : memref<204800x128xf32, #tpu.memory_space<hbm>> -> memref<128x128xf32, #tpu.memory_space<hbm>>
      %dma_wait3A_254 = arith.constant 0 : i32
      %dma_wait3A_255 = arith.constant 0 : i32
      %dma_wait3A_256 = tpu.memref_slice %arg6[%dma_wait3A_245, %dma_wait3A_254, %dma_wait3A_255] : memref<5x128x128xf32, #tpu.memory_space<vmem>> -> memref<1x128x128xf32, #tpu.memory_space<vmem>>
      %dma_wait3A_257 = tpu.memref_squeeze %dma_wait3A_256 : memref<1x128x128xf32, #tpu.memory_space<vmem>> -> memref<128x128xf32, #tpu.memory_space<vmem>>
      tpu.wait_dma2 semaphore(%arg14 : memref<!tpu.dma_semaphore, #tpu.memory_space<semaphore_mem>>) src(%dma_wait3A_257 : memref<128x128xf32, #tpu.memory_space<vmem>>) dst(%dma_wait3A_253 : memref<128x128xf32, #tpu.memory_space<hbm>>)
      %dma_wait3A_258 = arith.constant 3 : i32
      %dma_wait3A_259 = arith.constant 0 : i32
      %dma_wait3A_260 = arith.constant 0 : i32
      %dma_wait3A_261 = tpu.memref_slice %arg6[%dma_wait3A_258, %dma_wait3A_259, %dma_wait3A_260] : memref<5x128x128xf32, #tpu.memory_space<vmem>> -> memref<1x128x128xf32, #tpu.memory_space<vmem>>
      %dma_wait3A_262 = tpu.memref_squeeze %dma_wait3A_261 : memref<1x128x128xf32, #tpu.memory_space<vmem>> -> memref<128x128xf32, #tpu.memory_space<vmem>>
      %dma_wait3A_263 = arith.constant 0 : i32
      %dma_wait3A_264 = tpu.memref_slice %arg4[%mul3A_176, %dma_wait3A_263] : memref<204800x128xf32, #tpu.memory_space<hbm>> -> memref<128x128xf32, #tpu.memory_space<hbm>>
      %dma_wait3A_265 = arith.constant 0 : i32
      %dma_wait3A_266 = tpu.memref_slice %arg4[%mul3A_176, %dma_wait3A_265] : memref<204800x128xf32, #tpu.memory_space<hbm>> -> memref<128x128xf32, #tpu.memory_space<hbm>>
      %dma_wait3A_267 = arith.constant 0 : i32
      %dma_wait3A_268 = arith.constant 0 : i32
      %dma_wait3A_269 = tpu.memref_slice %arg6[%dma_wait3A_258, %dma_wait3A_267, %dma_wait3A_268] : memref<5x128x128xf32, #tpu.memory_space<vmem>> -> memref<1x128x128xf32, #tpu.memory_space<vmem>>
      %dma_wait3A_270 = tpu.memref_squeeze %dma_wait3A_269 : memref<1x128x128xf32, #tpu.memory_space<vmem>> -> memref<128x128xf32, #tpu.memory_space<vmem>>
      tpu.wait_dma2 semaphore(%arg15 : memref<!tpu.dma_semaphore, #tpu.memory_space<semaphore_mem>>) src(%dma_wait3A_270 : memref<128x128xf32, #tpu.memory_space<vmem>>) dst(%dma_wait3A_266 : memref<128x128xf32, #tpu.memory_space<hbm>>)
      %dma_wait3A_271 = arith.constant 4 : i32
      %dma_wait3A_272 = arith.constant 0 : i32
      %dma_wait3A_273 = arith.constant 0 : i32
      %dma_wait3A_274 = tpu.memref_slice %arg6[%dma_wait3A_271, %dma_wait3A_272, %dma_wait3A_273] : memref<5x128x128xf32, #tpu.memory_space<vmem>> -> memref<1x128x128xf32, #tpu.memory_space<vmem>>
      %dma_wait3A_275 = tpu.memref_squeeze %dma_wait3A_274 : memref<1x128x128xf32, #tpu.memory_space<vmem>> -> memref<128x128xf32, #tpu.memory_space<vmem>>
      %dma_wait3A_276 = arith.constant 0 : i32
      %dma_wait3A_277 = tpu.memref_slice %arg4[%mul3A_205, %dma_wait3A_276] : memref<204800x128xf32, #tpu.memory_space<hbm>> -> memref<128x128xf32, #tpu.memory_space<hbm>>
      %dma_wait3A_278 = arith.constant 0 : i32
      %dma_wait3A_279 = tpu.memref_slice %arg4[%mul3A_205, %dma_wait3A_278] : memref<204800x128xf32, #tpu.memory_space<hbm>> -> memref<128x128xf32, #tpu.memory_space<hbm>>
      %dma_wait3A_280 = arith.constant 0 : i32
      %dma_wait3A_281 = arith.constant 0 : i32
      %dma_wait3A_282 = tpu.memref_slice %arg6[%dma_wait3A_271, %dma_wait3A_280, %dma_wait3A_281] : memref<5x128x128xf32, #tpu.memory_space<vmem>> -> memref<1x128x128xf32, #tpu.memory_space<vmem>>
      %dma_wait3A_283 = tpu.memref_squeeze %dma_wait3A_282 : memref<1x128x128xf32, #tpu.memory_space<vmem>> -> memref<128x128xf32, #tpu.memory_space<vmem>>
      tpu.wait_dma2 semaphore(%arg16 : memref<!tpu.dma_semaphore, #tpu.memory_space<semaphore_mem>>) src(%dma_wait3A_283 : memref<128x128xf32, #tpu.memory_space<vmem>>) dst(%dma_wait3A_279 : memref<128x128xf32, #tpu.memory_space<hbm>>)
    }
    %scan3A_7 = arith.constant 10 : i32
    return
  }
}

</mosaic_0001>

<sc_bundles>
// kernel: kernel.3.cloned.1.call-start
scs
__scs_entry_jumppad:
0x0: {  	(pc) =	sbr.rel $0x88, $3  }
0x1: {  	(tag) =	ssettag $0x0;
	lr =	simm.s32 $0x1  }
0x2: {  	[smem:$0x3F9F] =	sst lr;
	_ =	strace $0xD0000000  }
0x3: {  	_ = 	snop  }
0x4: {  	_ = 	snop  }
0x5: {  	_ = 	snop  }
0x6: {  	_ = 	snop  }
0x7: {  	_ = 	snop  }
__scs_overlays_trampoline_lowered:
0x8: {  	[smem:$0x3FAE] =	sst s0  }
0x9: {  	[smem:$0x3FAF] =	sst s1  }
0xa: {  	[smem:$0x3FB0] =	sst s2  }
0xb: {  	[smem:$0x3FB1] =	sst s3  }
0xc: {  	[smem:$0x3FB2] =	sst s4  }
0xd: {  	[smem:$0x3FB3] =	sst s5  }
0xe: {  	[smem:$0x3FB4] =	sst s6  }
0xf: {  	[smem:$0x3FB5] =	sst s7  }
0x10: {  	[smem:$0x3FB6] =	sst s8  }
0x11: {  	[smem:$0x3FB7] =	sst s9;
	s0 =	simm.s32 @!p0 $0x0  }
0x12: {  	s1 =	sld [smem:$0x3F9D];
	s0 =	simm.s32 @p0 $0x1  }
0x13: {  	[smem:$0x3FB8] =	sst s0;
	s0 =	simm.s32 @!p1 $0x0  }
0x14: {  	s2 =	sld [smem:$0x3F9C];
	s0 =	simm.s32 @p1 $0x1  }
0x15: {  	[smem:$0x3FB9] =	sst s0;
	s0 =	simm.s32 @!p2 $0x0  }
0x16: {  	s3 =	sld [smem:$0x3FDB];
	s0 =	simm.s32 @p2 $0x1  }
0x17: {  	s4 =	simm.s32 $0x1BF5;
	[smem:$0x3FBB] =	sst s0  }
0x18: {  	s0 =	sld [smem:$0x3F9E];
	_ =	swait.ge [sflag:s4], $0x0  }
0x19: {  	s7 =	sld [smem:$0x3F9F]  }
0x1a: {  	s8 =	sadd.s32 $0xFFFFE003, lr  }
0x1b: {  	s9 =	sadd.s32 $0xFFFFFEF7, lr;
	s5 =	simm.s32 $0xFFFFFFFF;
	p2 =	slt.u32 s8, $0xFFFFF086  }
0x1c: {  	p1 =	slt.u32 s9, $0xF7A;
	s5 =	simm.s32 @!p2 $0x0  }
0x1d: {  	s5 =	simm.s32 @p1 $0x1;
	p0 =	seq.s32 s7, s2  }
0x1e: {  	s7 =	smul.u32 @!p0 $0xF7A, s2;
	p2 =	seq.s32 @!p0 s5, $0x0  }
0x1f: {  	s9 =	smul.u32 $0xF7A, s1;
	s8 =	simm.s32 @!p0 $0x1BF5;
	p2 =	por !p2, p0  }
0x20: {  	[sflag:s8] =	ssyncset.s32 @!p0 $0xFFFFF086;
	s6 =	sadd.s32 @!p0 s3, s7;
	s7 =	simm.s32 @!p0 $0x108  }
0x21: {  	s3 =	sadd.s32 s3, s9;
	s6 =	sadd.s32 @!p0 $0x88, s6;
	s7 =	simm.s32 @p2 $0x1082  }
0x22: {  	[simem:s7], [sflag:s8] =	dma.local @!p0 [hbm:s6], $0xF7A  }
0x23: {  	s9 =	sor.u32 $0xD0000000, s2;
	s6 =	simm.s32 $0x108;
	_ =	swait.ge @!p0 [sflag:s8], $0x0  }
0x24: {  	s3 =	sadd.s32 $0x88, s3;
	s6 =	simm.s32 @!p1 $0x1082;
	[sflag:s4] =	ssyncset.s32 $0xFFFFF086  }
0x25: {  	[simem:s6], [sflag:s4] =	dma.local [hbm:s3], $0xF7A  }
0x26: {  	[smem:$0x3F9F] =	sst s1;
	(tag) =	ssettag s2;
	_ =	strace s9  }
0x27: {  	s1 =	sld [smem:$0x3FAF]  }
0x28: {  	s2 =	sld [smem:$0x3FB0]  }
0x29: {  	s4 =	sld [smem:$0x3FB2]  }
0x2a: {  	p0 =	seq.s32 s5, $0x0;
	s5 =	sld [smem:$0x3FB3]  }
0x2b: {  	s6 =	sld [smem:$0x3FB4]  }
0x2c: {  	s7 =	sld [smem:$0x3FB5]  }
0x2d: {  	s3 =	simm.s32 $0x108;
	s8 =	sld [smem:$0x3FB6]  }
0x2e: {  	s3 =	simm.s32 @!p0 $0x1082;
	s9 =	sld [smem:$0x3FB7]  }
0x2f: {  	lr =	sadd.s32 s0, s3;
	s0 =	sld [smem:$0x3FAE]  }
0x30: {  	s3 =	sld [smem:$0x3FB1]  }
0x31: {  	[smem:$0x3FBA] =	sst s10  }
0x32: {  	s10 =	sld [smem:$0x3FB8];
	_ =	sdelay $0x3  }
0x33: {  	p0 =	seq.s32 s10, $0x1;
	s10 =	sld [smem:$0x3FBA];
	_ =	sdelay $0x3  }
0x34: {  	[smem:$0x3FBA] =	sst s10  }
0x35: {  	s10 =	sld [smem:$0x3FB9];
	_ =	sdelay $0x3  }
0x36: {  	p1 =	seq.s32 s10, $0x1;
	s10 =	sld [smem:$0x3FBA];
	_ =	sdelay $0x3  }
0x37: {  	[smem:$0x3FBA] =	sst s10  }
0x38: {  	s10 =	sld [smem:$0x3FBB]  }
0x39: {  	_ = 	snop;
	(pc) =	sbr.ind lr, $3  }
0x3a: {  	_ = 	snop  }
0x3b: {  	_ = 	snop  }
0x3c: {  	p2 =	seq.s32 s10, $0x1;
	s10 =	sld [smem:$0x3FBA]  }
0x3d: {  	_ =	shalt  }
0x3e: {  	_ =	shalt  }
0x3f: {  	_ =	shalt  }
0x40: {  	_ =	shalt  }
0x41: {  	_ =	shalt  }
0x42: {  	_ =	shalt  }
0x43: {  	_ =	shalt  }
0x44: {  	_ =	shalt  }
0x45: {  	_ =	shalt  }
0x46: {  	_ =	shalt  }
0x47: {  	_ =	shalt  }
0x48: {  	_ =	shalt  }
0x49: {  	_ =	shalt  }
0x4a: {  	_ =	shalt  }
0x4b: {  	_ =	shalt  }
0x4c: {  	_ =	shalt  }
0x4d: {  	_ =	shalt  }
0x4e: {  	_ =	shalt  }
0x4f: {  	_ =	shalt  }
0x50: {  	_ =	shalt  }
0x51: {  	_ =	shalt  }
0x52: {  	_ =	shalt  }
0x53: {  	_ =	shalt  }
0x54: {  	_ =	shalt  }
0x55: {  	_ =	shalt  }
0x56: {  	_ =	shalt  }
0x57: {  	_ =	shalt  }
0x58: {  	_ =	shalt  }
0x59: {  	_ =	shalt  }
0x5a: {  	_ =	shalt  }
0x5b: {  	_ =	shalt  }
0x5c: {  	_ =	shalt  }
0x5d: {  	_ =	shalt  }
0x5e: {  	_ =	shalt  }
0x5f: {  	_ =	shalt  }
0x60: {  	_ =	shalt  }
0x61: {  	_ =	shalt  }
0x62: {  	_ =	shalt  }
0x63: {  	_ =	shalt  }
0x64: {  	_ =	shalt  }
0x65: {  	_ =	shalt  }
0x66: {  	_ =	shalt  }
0x67: {  	_ =	shalt  }
0x68: {  	_ =	shalt  }
0x69: {  	_ =	shalt  }
0x6a: {  	_ =	shalt  }
0x6b: {  	_ =	shalt  }
0x6c: {  	_ =	shalt  }
0x6d: {  	_ =	shalt  }
0x6e: {  	_ =	shalt  }
0x6f: {  	_ =	shalt  }
0x70: {  	_ =	shalt  }
0x71: {  	_ =	shalt  }
0x72: {  	_ =	shalt  }
0x73: {  	_ =	shalt  }
0x74: {  	_ =	shalt  }
0x75: {  	_ =	shalt  }
0x76: {  	_ =	shalt  }
0x77: {  	_ =	shalt  }
0x78: {  	_ =	shalt  }
0x79: {  	_ =	shalt  }
0x7a: {  	_ =	shalt  }
0x7b: {  	_ =	shalt  }
0x7c: {  	_ =	shalt  }
0x7d: {  	_ =	shalt  }
0x7e: {  	_ =	shalt  }
0x7f: {  	_ =	shalt  }
0x80: {  	_ =	shalt  }
0x81: {  	_ =	shalt  }
0x82: {  	_ =	shalt  }
0x83: {  	_ =	shalt  }
0x84: {  	_ =	shalt  }
0x85: {  	_ =	shalt  }
0x86: {  	_ =	shalt  }
0x87: {  	_ =	shalt  }
.Lfunc_end0:
.L_simem_size_0:
called_computation_lowered:
.L_overlay_start_0:
0x88: {  	s2 =	sld [smem:$0x3FD9]  }
0x89: {  	s3 =	sld [smem:$0x3FFE];
	_ =	sdelay $0x1  }
0x8a: {  	s1 =	srdreg.scid  }
0x8b: {  	s0 =	sand.u32 $0x1, s1  }
0x8c: {  	s17 =	sshll.u32 s0, $0xA;
	s2 =	sadd.s32 s3, s2  }
0x8d: {  	s2 =	sadd.s32 s2, s17  }
0x8e: {  	[smem:$0x3FC6] =	sst s2  }
0x8f: {  	_ = 	snop  }
0x90: {  	s2 =	sld [smem:$0x3FC8]  }
0x91: {  	s18 =	sld [smem:$0x3FD0];
	(tm) =	ssettm $0x1  }
0x92: {  	s4 =	sld [smem:$0x3FFB];
	_ =	sdelay $0x3  }
0x93: {  	_ =	strace s4  }
0x94: {  	s4 =	sld [smem:$0x3FFC];
	_ =	sdelay $0x3  }
0x95: {  	_ =	strace s4  }
0x96: {  	s4 =	sld [smem:$0x3FFD];
	_ =	sdelay $0x3  }
0x97: {  	_ =	strace s4  }
0x98: {  	_ =	strace $0x8FFFFFFF  }
0x99: {  	s19 =	sld [smem:$0x3FDB];
	_ =	sdelay $0x1  }
0x9a: {  	s5 =	simm.s32 $_scs_section_size  }
0x9b: {  	s6 =	simm.s32 $_size__tile_overlayer_lowered;
	s7 =	simm.s32 $_tile_overlayer_lowered  }
0x9c: {  	s22 =	simm.s32 $0x1BFF;
	s21 =	sshll.u32 s7, $0x1;
	s4 =	sadd.s32 s5, s19  }
0x9d: {  	s8 =	simm.s32 $0x0;
	s20 =	sshll.u32 s6, $0x1;
	s6 =	sadd.s32 s21, s4  }
0x9e: {  	[timem:s8], [sflag:s22] =	dma.local [hbm:s6], s20  }
0x9f: {  	_ =	swait.ge [sflag:s22], s20  }
0xa0: {  	s5 =	ssub.s32 $0x0, s20;
	[sflag:s22] =	ssyncset.done $0x0  }
0xa1: {  	[sflag:s22] =	ssyncadd.s32 s5;
	_ =	sdelay $0x1  }
0xa2: {  	s23 =	simm.s32 $0x1B8B  }
0xa3: {  	_ =	swait.ge [sflag:s23], $0x1  }
0xa4: {  	[sflag:s23] =	ssyncset.done $0x0  }
0xa5: {  	s25 =	simm.s32 $0x1B8E;
	s24 =	sld [smem:$0x3FFE];
	[sflag:s23] =	ssyncadd.s32 $0xFFFFFFFF  }
0xa6: {  	s26 =	simm.s32 $execute0_lowered;
	[smem:$0x3FD2] =	sst s25  }
0xa7: {  	s6 =	sshll.u32 s26, $0x1;
	_ =	strace $0x80000046;
	[dreg:$0x1] =	wrdreg $0xFFFFFFFF  }
0xa8: {  	s28 =	simm.s32 $_size_execute0_lowered;
	s4 =	sadd.s32 s4, s6;
	[dreg:$0x0] =	wrdreg $0x0  }
0xa9: {  	s6 =	sshll.u32 s28, $0x1;
	[dreg:$0x2] =	wrdreg s4  }
0xaa: {  	[dreg:$0x3] =	wrdreg s6  }
0xab: {  	[dreg:$0x4] =	wrdreg $0xC0  }
0xac: {  	_ =	task [dreg:s8], $0x5FFFF  }
0xad: {  	[dreg:$0x1] =	wrdreg $0xFFFFFFFF  }
0xae: {  	[dreg:$0x0] =	wrdreg $0x60  }
0xaf: {  	[dreg:$0x2] =	wrdreg s24  }
0xb0: {  	[dreg:$0x3] =	wrdreg s2  }
0xb1: {  	[dreg:$0x4] =	wrdreg s18  }
0xb2: {  	[dreg:$0x5] =	wrdreg $0x9  }
0xb3: {  	_ =	task.clear_ibuf [dreg:s8], $0x6FFFF;
	_ =	strace $0x90000046  }
0xb4: {  	s29 =	simm.s32 $0x9;
	_ =	strace $0x80000048  }
0xb5: {  	_ =	swait.ge [sflag:s29], $0x1  }
0xb6: {  	[sflag:s29] =	ssyncadd.s32 $0xFFFFFFFF  }
0xb7: {  	_ =	strace $0x90000048  }
0xb8: {  	_ =	sfence  }
0xb9: {  	s30 =	sld [smem:$0x0];
	_ =	sdelay $0x2  }
0xba: {  	s31 =	sshll.u32 s1, $0xD;
	s1 =	sshrl.u32 s1, $0x2  }
0xbb: {  	s3 =	sand.u32 $0x4000, s31;
	s1 =	sadd.s32 s1, s30  }
0xbc: {  	s0 =	sor.u32 s3, s0;
	s1 =	sshll.u32 s1, $0x11  }
0xbd: {  	s0 =	sor.u32 s1, s0  }
0xbe: {  	s0 =	sadd.s32 $0x8F2B, s0  }
0xbf: {  	[sflag:s0] =	ssyncadd.remote.s32 $0x1  }
0xc0: {  	_ =	sfence.sel $0xFFFF  }
0xc1: {  	[dreg:$0x0] =	wrdreg $0xFFFFFFFF;
	(pc) =	sbr.abs _section_cstart, $3  }
0xc2: {  	[dreg:$0x1] =	wrdreg $0xFFFFFFFF  }
0xc3: {  	_ =	task.clear_ibuf [dreg:s8], $0x2FFFF;
	_ =	strace $0x9FFFFFFF  }
0xc4: {  	(tm) =	ssettm $0x7FFFFFFF  }
0xc5: {  	_ =	shalt  }
tec
execute0_lowered:
.L_overlay_start_1:
0x0: {  	(tag) =	ssettag $0x1  }
0x1: {  	s4 =	rddreg [dreg:$0x0]  }
0x2: {  	s1 =	srdreg.scid;
	s2 =	rddreg [dreg:$0x1]  }
0x3: {  	s0 =	stileid.u32;
	s6 =	rddreg [dreg:$0x2]  }
0x4: {  	s3 =	simm.s32 $0x0;
	s12 =	simm.s32 $0xDC00;
	s13 =	simm.s32 $0x11C00  }
0x5: {  	s14 =	simm.s32 $0x1;
	s15 =	simm.s32 $0x2;
	s16 =	simm.s32 $0x3  }
0x6: {  	s17 =	simm.s32 $0x4;
	s18 =	simm.s32 $0x5;
	s19 =	simm.s32 $0x6  }
0x7: {  	s20 =	simm.s32 $0x7;
	s21 =	simm.s32 $0x8;
	s22 =	simm.s32 $0x9  }
0x8: {  	s23 =	simm.s32 $0xA;
	s24 =	simm.s32 $0x0;
	s5 =	sand.u32 $0x1, s1  }
0x9: {  	s30 =	sshll.u32 s0, $0x1;
	s1 =	rddreg [dreg:$0x3];
	s9 =	smul.u32 $0x32000, s0  }
0xa: {  	[smem:$0x7FF] =	sst s3;
	s7 =	sor.u32 s5, s30;
	s11 =	smul.u32 $0x19000, s5  }
0xb: {  	s8 =	ssub.s32 $0x2, s5;
	_ =	strace $0x80000047;
	s7 =	smul.u32 $0x380, s7  }
0xc: {  	s10 =	sshrl.u32 s8, $0x1;
	s6 =	sadd.s32 s9, s6;
	s9 =	simm.s32 $0x1C00  }
0xd: {  	s31 =	ssub.s32 s8, s10;
	s6 =	sadd.s32 s11, s6;
	s8 =	simm.s32 $0x80  }
0xe: {  	s10 =	simm.s32 $0x5C00;
	s11 =	simm.s32 $0x9C00;
	s4 =	sadd.s32 s7, s4  }
0xf: {  	s5 =	smax.u32 s31, $0x1;
	s7 =	simm.s32 $0xB;
	s4 =	sadd.s32 $0x400, s4  }
.LBB2_1:
0x10: {  	[tilespmem:s3], [sflag:$0xB] =	stream.linear.gather [hbm4b:s4+s3], $0x1900, $0x38;
	[tilespmem:$0x15C00] =	vst v63  }
0x11: {  	_ =	swait.ge [sflag:s7], $0x1900  }
0x12: {  	[sflag:s7] =	ssyncset.done $0x0  }
0x13: {  	s25 =	simm.s32 $0x0;
	[sflag:s7] =	ssyncadd.s32 $0xFFFFE700  }
0x14: {  	[tilespmem:s9], [sflag:$0x1] =	stream.indirect.gather [hbm4b:s2+s8], $0x80, s25, s8, $0xb8;
	[tilespmem:$0x15C00] =	vst v63  }
0x15: {  	s26 =	simm.s32 $0x80  }
0x16: {  	[tilespmem:s10], [sflag:$0x2] =	stream.indirect.gather [hbm4b:s2+s8], $0x80, s26, s8, $0xb8;
	[tilespmem:$0x15C00] =	vst v63  }
0x17: {  	s28 =	simm.s32 $0x100  }
0x18: {  	[tilespmem:s11], [sflag:$0x3] =	stream.indirect.gather [hbm4b:s2+s8], $0x80, s28, s8, $0xb8;
	[tilespmem:$0x15C00] =	vst v63  }
0x19: {  	s30 =	simm.s32 $0x180  }
0x1a: {  	[tilespmem:s12], [sflag:$0x4] =	stream.indirect.gather [hbm4b:s2+s8], $0x80, s30, s8, $0xb8;
	[tilespmem:$0x15C00] =	vst v63  }
0x1b: {  	s31 =	simm.s32 $0x200  }
0x1c: {  	[tilespmem:s13], [sflag:$0x5] =	stream.indirect.gather [hbm4b:s2+s8], $0x80, s31, s8, $0xb8;
	[tilespmem:$0x15C00] =	vst v63  }
0x1d: {  	_ =	swait.ge [sflag:s14], $0x4000  }
0x1e: {  	[sflag:s14] =	ssyncset.done $0x0  }
0x1f: {  	[sflag:s14] =	ssyncadd.s32 $0xFFFFC000  }
0x20: {  	[hbm4b:s6+s3] =	stream.linear.scatter [tilespmem:s9], [sflag:$0x6], $0x4000, $0x38;
	[tilespmem:$0x15C00] =	vst v63  }
0x21: {  	_ =	swait.ge [sflag:s15], $0x4000  }
0x22: {  	[sflag:s15] =	ssyncset.done $0x0  }
0x23: {  	s26 =	sadd.s32 $0x800, s6;
	[sflag:s15] =	ssyncadd.s32 $0xFFFFC000  }
0x24: {  	[hbm4b:s26+s3] =	stream.linear.scatter [tilespmem:s10], [sflag:$0x7], $0x4000, $0x38;
	[tilespmem:$0x15C00] =	vst v63  }
0x25: {  	_ =	swait.ge [sflag:s16], $0x4000  }
0x26: {  	[sflag:s16] =	ssyncset.done $0x0  }
0x27: {  	s28 =	sadd.s32 $0x1000, s6;
	[sflag:s16] =	ssyncadd.s32 $0xFFFFC000  }
0x28: {  	[hbm4b:s28+s3] =	stream.linear.scatter [tilespmem:s11], [sflag:$0x8], $0x4000, $0x38;
	[tilespmem:$0x15C00] =	vst v63  }
0x29: {  	_ =	swait.ge [sflag:s17], $0x4000  }
0x2a: {  	[sflag:s17] =	ssyncset.done $0x0  }
0x2b: {  	s30 =	sadd.s32 $0x1800, s6;
	[sflag:s17] =	ssyncadd.s32 $0xFFFFC000  }
0x2c: {  	[hbm4b:s30+s3] =	stream.linear.scatter [tilespmem:s12], [sflag:$0x9], $0x4000, $0x38;
	[tilespmem:$0x15C00] =	vst v63  }
0x2d: {  	_ =	swait.ge [sflag:s18], $0x4000  }
0x2e: {  	[sflag:s18] =	ssyncset.done $0x0  }
0x2f: {  	s31 =	sadd.s32 $0x2000, s6;
	[sflag:s18] =	ssyncadd.s32 $0xFFFFC000  }
0x30: {  	[hbm4b:s31+s3] =	stream.linear.scatter [tilespmem:s13], [sflag:$0xA], $0x4000, $0x38;
	[tilespmem:$0x15C00] =	vst v63  }
0x31: {  	_ =	swait.ge [sflag:s19], $0x4000  }
0x32: {  	[sflag:s19] =	ssyncset.done $0x0  }
0x33: {  	[sflag:s19] =	ssyncadd.s32 $0xFFFFC000  }
0x34: {  	_ =	swait.ge [sflag:s20], $0x4000  }
0x35: {  	[sflag:s20] =	ssyncset.done $0x0  }
0x36: {  	[sflag:s20] =	ssyncadd.s32 $0xFFFFC000  }
0x37: {  	_ =	swait.ge [sflag:s21], $0x4000  }
0x38: {  	[sflag:s21] =	ssyncset.done $0x0  }
0x39: {  	[sflag:s21] =	ssyncadd.s32 $0xFFFFC000  }
0x3a: {  	_ =	swait.ge [sflag:s22], $0x4000  }
0x3b: {  	[sflag:s22] =	ssyncset.done $0x0  }
0x3c: {  	[sflag:s22] =	ssyncadd.s32 $0xFFFFC000  }
0x3d: {  	s29 =	simm.s32 $0x1400;
	_ =	swait.ge [sflag:s23], $0x4000  }
0x3e: {  	s25 =	sadd.s32 $0x2800, s6;
	s26 =	simm.s32 $0xA00;
	[sflag:s23] =	ssyncset.done $0x0  }
.LBB2_2:
0x3f: {  	s30 =	sshra.s32 s26, $0x2  }
0x40: {  	[sflag:s23] =	ssyncadd.s32 $0xFFFFC000;
	s26 =	smov.u32 s29;
	s28 =	sadd.s32 $0xA00, s29  }
0x41: {  	[tilespmem:s9], [sflag:$0x1] =	stream.indirect.gather [hbm4b:s2+s8], $0x80, s30, s8, $0xb8;
	[tilespmem:$0x15C00] =	vst v63  }
0x42: {  	p0 =	sne.s32 s29, $0x5A00;
	s29 =	sadd.s32 $0x80, s30  }
0x43: {  	[tilespmem:s10], [sflag:$0x2] =	stream.indirect.gather [hbm4b:s2+s8], $0x80, s29, s8, $0xb8;
	[tilespmem:$0x15C00] =	vst v63  }
0x44: {  	s29 =	sadd.s32 $0x100, s30  }
0x45: {  	[tilespmem:s11], [sflag:$0x3] =	stream.indirect.gather [hbm4b:s2+s8], $0x80, s29, s8, $0xb8;
	[tilespmem:$0x15C00] =	vst v63  }
0x46: {  	s29 =	sadd.s32 $0x180, s30  }
0x47: {  	[tilespmem:s12], [sflag:$0x4] =	stream.indirect.gather [hbm4b:s2+s8], $0x80, s29, s8, $0xb8;
	[tilespmem:$0x15C00] =	vst v63  }
0x48: {  	s29 =	sadd.s32 $0x200, s30  }
0x49: {  	[tilespmem:s13], [sflag:$0x5] =	stream.indirect.gather [hbm4b:s2+s8], $0x80, s29, s8, $0xb8;
	[tilespmem:$0x15C00] =	vst v63  }
0x4a: {  	_ =	swait.ge [sflag:s14], $0x4000  }
0x4b: {  	[sflag:s14] =	ssyncset.done $0x0  }
0x4c: {  	[sflag:s14] =	ssyncadd.s32 $0xFFFFC000  }
0x4d: {  	[hbm4b:s25+s3] =	stream.linear.scatter [tilespmem:s9], [sflag:$0x6], $0x4000, $0x38;
	[tilespmem:$0x15C00] =	vst v63  }
0x4e: {  	_ =	swait.ge [sflag:s15], $0x4000  }
0x4f: {  	[sflag:s15] =	ssyncset.done $0x0  }
0x50: {  	s29 =	sadd.s32 $0x800, s25;
	[sflag:s15] =	ssyncadd.s32 $0xFFFFC000  }
0x51: {  	[hbm4b:s29+s3] =	stream.linear.scatter [tilespmem:s10], [sflag:$0x7], $0x4000, $0x38;
	[tilespmem:$0x15C00] =	vst v63  }
0x52: {  	_ =	swait.ge [sflag:s16], $0x4000  }
0x53: {  	[sflag:s16] =	ssyncset.done $0x0  }
0x54: {  	s29 =	sadd.s32 $0x1000, s25;
	[sflag:s16] =	ssyncadd.s32 $0xFFFFC000  }
0x55: {  	[hbm4b:s29+s3] =	stream.linear.scatter [tilespmem:s11], [sflag:$0x8], $0x4000, $0x38;
	[tilespmem:$0x15C00] =	vst v63  }
0x56: {  	_ =	swait.ge [sflag:s17], $0x4000  }
0x57: {  	[sflag:s17] =	ssyncset.done $0x0  }
0x58: {  	s29 =	sadd.s32 $0x1800, s25;
	[sflag:s17] =	ssyncadd.s32 $0xFFFFC000  }
0x59: {  	[hbm4b:s29+s3] =	stream.linear.scatter [tilespmem:s12], [sflag:$0x9], $0x4000, $0x38;
	[tilespmem:$0x15C00] =	vst v63  }
0x5a: {  	_ =	swait.ge [sflag:s18], $0x4000  }
0x5b: {  	[sflag:s18] =	ssyncset.done $0x0  }
0x5c: {  	s29 =	sadd.s32 $0x2000, s25;
	[sflag:s18] =	ssyncadd.s32 $0xFFFFC000  }
0x5d: {  	[hbm4b:s29+s3] =	stream.linear.scatter [tilespmem:s13], [sflag:$0xA], $0x4000, $0x38;
	[tilespmem:$0x15C00] =	vst v63  }
0x5e: {  	_ =	swait.ge [sflag:s19], $0x4000  }
0x5f: {  	[sflag:s19] =	ssyncset.done $0x0  }
0x60: {  	[sflag:s19] =	ssyncadd.s32 $0xFFFFC000  }
0x61: {  	_ =	swait.ge [sflag:s20], $0x4000  }
0x62: {  	[sflag:s20] =	ssyncset.done $0x0  }
0x63: {  	[sflag:s20] =	ssyncadd.s32 $0xFFFFC000  }
0x64: {  	_ =	swait.ge [sflag:s21], $0x4000  }
0x65: {  	[sflag:s21] =	ssyncset.done $0x0  }
0x66: {  	[sflag:s21] =	ssyncadd.s32 $0xFFFFC000  }
.Ltmp0:
0x67: {  	_ =	swait.ge [sflag:s22], $0x4000;
	(pc) =	sbr.rel @p0 .LBB2_2-.Ltmp0, $4  }
0x68: {  	[sflag:s22] =	ssyncset.done $0x0  }
0x69: {  	[sflag:s22] =	ssyncadd.s32 $0xFFFFC000  }
0x6a: {  	_ =	swait.ge [sflag:s23], $0x4000  }
0x6b: {  	s25 =	sadd.s32 $0x2800, s25;
	s29 =	smov.u32 s28;
	[sflag:s23] =	ssyncset.done $0x0  }
0x6c: {  	s26 =	sshra.s32 s26, $0x2;
	[sflag:s23] =	ssyncadd.s32 $0xFFFFC000  }
0x6d: {  	[tilespmem:s9], [sflag:$0x1] =	stream.indirect.gather [hbm4b:s2+s8], $0x80, s26, s8, $0xb8;
	[tilespmem:$0x15C00] =	vst v63  }
0x6e: {  	s28 =	sadd.s32 $0x80, s26  }
0x6f: {  	[tilespmem:s10], [sflag:$0x2] =	stream.indirect.gather [hbm4b:s2+s8], $0x80, s28, s8, $0xb8;
	[tilespmem:$0x15C00] =	vst v63  }
0x70: {  	s30 =	sadd.s32 $0x100, s26  }
0x71: {  	[tilespmem:s11], [sflag:$0x3] =	stream.indirect.gather [hbm4b:s2+s8], $0x80, s30, s8, $0xb8;
	[tilespmem:$0x15C00] =	vst v63  }
0x72: {  	s31 =	sadd.s32 $0x180, s26  }
0x73: {  	[tilespmem:s12], [sflag:$0x4] =	stream.indirect.gather [hbm4b:s2+s8], $0x80, s31, s8, $0xb8;
	[tilespmem:$0x15C00] =	vst v63  }
0x74: {  	s26 =	sadd.s32 $0x200, s26  }
0x75: {  	[tilespmem:s13], [sflag:$0x5] =	stream.indirect.gather [hbm4b:s2+s8], $0x80, s26, s8, $0xb8;
	[tilespmem:$0x15C00] =	vst v63  }
0x76: {  	_ =	swait.ge [sflag:s14], $0x4000  }
0x77: {  	[sflag:s14] =	ssyncset.done $0x0  }
0x78: {  	[sflag:s14] =	ssyncadd.s32 $0xFFFFC000  }
0x79: {  	[hbm4b:s25+s3] =	stream.linear.scatter [tilespmem:s9], [sflag:$0x6], $0x4000, $0x38;
	[tilespmem:$0x15C00] =	vst v63  }
0x7a: {  	_ =	swait.ge [sflag:s15], $0x4000  }
0x7b: {  	[sflag:s15] =	ssyncset.done $0x0  }
0x7c: {  	s28 =	sadd.s32 $0x800, s25;
	[sflag:s15] =	ssyncadd.s32 $0xFFFFC000  }
0x7d: {  	[hbm4b:s28+s3] =	stream.linear.scatter [tilespmem:s10], [sflag:$0x7], $0x4000, $0x38;
	[tilespmem:$0x15C00] =	vst v63  }
0x7e: {  	_ =	swait.ge [sflag:s16], $0x4000  }
0x7f: {  	[sflag:s16] =	ssyncset.done $0x0  }
0x80: {  	s29 =	sadd.s32 $0x1000, s25;
	[sflag:s16] =	ssyncadd.s32 $0xFFFFC000  }
0x81: {  	[hbm4b:s29+s3] =	stream.linear.scatter [tilespmem:s11], [sflag:$0x8], $0x4000, $0x38;
	[tilespmem:$0x15C00] =	vst v63  }
0x82: {  	_ =	swait.ge [sflag:s17], $0x4000  }
0x83: {  	[sflag:s17] =	ssyncset.done $0x0  }
0x84: {  	s30 =	sadd.s32 $0x1800, s25;
	[sflag:s17] =	ssyncadd.s32 $0xFFFFC000  }
0x85: {  	[hbm4b:s30+s3] =	stream.linear.scatter [tilespmem:s12], [sflag:$0x9], $0x4000, $0x38;
	[tilespmem:$0x15C00] =	vst v63  }
0x86: {  	_ =	swait.ge [sflag:s18], $0x4000  }
0x87: {  	[sflag:s18] =	ssyncset.done $0x0  }
0x88: {  	s31 =	sadd.s32 $0x2000, s25;
	[sflag:s18] =	ssyncadd.s32 $0xFFFFC000  }
0x89: {  	[hbm4b:s31+s3] =	stream.linear.scatter [tilespmem:s13], [sflag:$0xA], $0x4000, $0x38;
	[tilespmem:$0x15C00] =	vst v63  }
0x8a: {  	_ =	swait.ge [sflag:s19], $0x4000  }
0x8b: {  	[sflag:s19] =	ssyncset.done $0x0  }
0x8c: {  	[sflag:s19] =	ssyncadd.s32 $0xFFFFC000  }
0x8d: {  	_ =	swait.ge [sflag:s20], $0x4000  }
0x8e: {  	[sflag:s20] =	ssyncset.done $0x0  }
0x8f: {  	[sflag:s20] =	ssyncadd.s32 $0xFFFFC000  }
0x90: {  	_ =	swait.ge [sflag:s21], $0x4000  }
0x91: {  	[sflag:s21] =	ssyncset.done $0x0  }
0x92: {  	s24 =	sadd.s32 $0x1, s24;
	[sflag:s21] =	ssyncadd.s32 $0xFFFFC000  }
0x93: {  	p0 =	sne.s32 s24, s5;
	_ =	swait.ge [sflag:s22], $0x4000  }
.Ltmp1:
0x94: {  	[sflag:s22] =	ssyncset.done $0x0;
	(pc) =	sbr.rel @p0 .LBB2_1-.Ltmp1, $4  }
0x95: {  	[sflag:s22] =	ssyncadd.s32 $0xFFFFC000  }
0x96: {  	_ =	swait.ge [sflag:s23], $0x4000  }
0x97: {  	[sflag:s23] =	ssyncset.done $0x0  }
0x98: {  	[sflag:s23] =	ssyncadd.s32 $0xFFFFC000  }
0x99: {  	_ =	sfence.sel $0x180000  }
0x9a: {  	[bflag:$0x0] =	sbarrier.arrive $0xFFFF  }
0x9b: {  	p0 =	sne.s32 s0, $0x0;
	_ =	strace $0x90000047  }
0x9c: {  	s0 =	sadd.s32 @!p0 $0x100000, s1;
	[bflag:$0x2] =	sbarrier.arrive $0xFFFF  }
0x9d: {  	[sflag:s0] =	ssyncadd.tile.s32 @!p0 $0x1;
	_ =	shalt  }
.Lfunc_end2:
_tile_overlayer_lowered:
.L_overlay_start_2:
0x9e: {  	(tag) =	ssettag $0x2  }
0x9f: {  	s0 =	rddreg [dreg:$0x0];
	s2 =	stileid.u32  }
0xa0: {  	s1 =	rddreg [dreg:$0x1];
	p0 =	sne.s32 s2, $0x0  }
0xa1: {  	s3 =	rddreg [dreg:$0x2];
	[bflag:$0x3] =	sbarrier.arrive $0xFFFF;
	s2 =	simm.s32 @!p0 $0x1C0B  }
0xa2: {  	[timem:s3], [sflag:s2] =	dma.local @!p0 [hbm:s0], s1  }
0xa3: {  	s0 =	simm.s32 @!p0 $0xB  }
0xa4: {  	_ =	swait.ge @!p0 [sflag:s0], s1  }
0xa5: {  	s1 =	ssub.s32 @!p0 $0x0, s1;
	[sflag:s0] =	ssyncset.done @!p0 $0x0  }
0xa6: {  	[sflag:s0] =	ssyncadd.s32 @!p0 s1  }
0xa7: {  	[bflag:$0x3] =	sbarrier.arrive $0xFFFF  }
0xa8: {  	_ =	shalt  }

</sc_bundles>
